<compile_context>
chip_gen: v7x
topology: tpu7x:2x2x1
jax: 0.10.2.dev20260603
libtpu: 0.0.44.dev20260713+nightly
codegen_flags: <defaults>
</compile_context>

<pallas_src>
import functools
import math

import jax
import jax.numpy as jnp
from jax import lax
from jax.experimental import pallas as pl
from jax.experimental.pallas import tpu as pltpu
from jax.experimental.pallas import tpu_sc as plsc

ALPHA = 0.1
B, M, C = 1024, 128, 384
NC, NS = 2, 16
NW = NC * NS
BPW = B // NW


def _fused_body(x_ref, mm_ref, post_ref, z_ref, kl_ref, idx_ref, rows_ref):
    MM = mm_ref[...]
    n = post_ref.shape[0] // M
    post_ref[...] = jnp.broadcast_to(MM[None], (n, M, C)).reshape(n * M, C)

    @pl.when(pl.program_id(0) == pl.num_programs(0) - 1)
    def _():
        _compute(x_ref[...], MM, z_ref, kl_ref, idx_ref, rows_ref)


def _compute(X, MM, z_ref, kl_ref, idx_ref, rows_ref):
    NB = X.shape[0]
    sims = jax.lax.dot_general(X, MM, (((1,), (1,)), ((), ())),
                               preferred_element_type=jnp.float32)
    closest = jnp.argmax(sims, axis=1)
    onehot = (jax.lax.broadcasted_iota(jnp.int32, (NB, M), 1)
              == closest[:, None])
    oh_f = onehot.astype(jnp.float32)
    gathered = jax.lax.dot_general(oh_f, MM, (((1,), (0,)), ((), ())),
                                   preferred_element_type=jnp.float32)
    diff = X - gathered
    delta = ALPHA * diff
    xsq = jnp.sum(X * X, axis=1)
    s_at = jnp.sum(sims * oh_f, axis=1)
    corr = (1.0 - ALPHA) * s_at + ALPHA * xsq
    scores = jnp.where(onehot, corr[:, None], sims) * (1.0 / math.sqrt(C))
    smax = jnp.max(scores, axis=1, keepdims=True)
    e = jnp.exp(scores - smax)
    w = e / jnp.sum(e, axis=1, keepdims=True)
    z = jax.lax.dot_general(w, MM, (((1,), (0,)), ((), ())),
                            preferred_element_type=jnp.float32)
    w_at = jnp.sum(w * oh_f, axis=1)
    z = z + w_at[:, None] * delta
    z_ref[...] = z
    kl_ref[0, 0, :] = 0.5 * (jnp.sum(diff * diff, axis=1)
                             + jnp.sum((z - X) ** 2, axis=1))
    idx_ref[0, 0, :] = (closest
                        + M * jax.lax.broadcasted_iota(jnp.int32, (NB,), 0))
    rows_ref[...] = gathered + delta


def _sc_scatter_body(rows_hbm, idx_hbm, post_ref, rows_v, idx_v, ssem):
    wid = lax.axis_index("s") * NC + lax.axis_index("c")
    base = wid * BPW
    pltpu.sync_copy(rows_hbm.at[pl.ds(base, BPW)], rows_v)
    pltpu.sync_copy(idx_hbm.at[pl.ds(base, BPW)], idx_v)
    pltpu.async_copy(rows_v, post_ref.at[idx_v], ssem).wait()


_sc_scatter = functools.partial(
    pl.kernel,
    out_type=(),
    mesh=plsc.VectorSubcoreMesh(core_axis_name="c", subcore_axis_name="s"),
    scratch_types=[
        pltpu.VMEM((BPW, C), jnp.float32),
        pltpu.VMEM((BPW,), jnp.int32),
        pltpu.SemaphoreType.DMA,
    ],
)(_sc_scatter_body)


def kernel(input_encoded, memory_mean, memory_logvar):
    del memory_logvar

    BB = 32
    NG = B // BB
    post_flat, z, kl2, idx3, new_rows = pl.pallas_call(
        _fused_body,
        grid=(NG,),
        in_specs=[
            pl.BlockSpec((B, C), lambda i: (0, 0)),
            pl.BlockSpec((M, C), lambda i: (0, 0)),
        ],
        out_specs=[
            pl.BlockSpec((BB * M, C), lambda i: (i, 0)),
            pl.BlockSpec((B, C), lambda i: (0, 0)),
            pl.BlockSpec((1, 1, B), lambda i: (0, 0, 0)),
            pl.BlockSpec((1, 1, B), lambda i: (0, 0, 0)),
            pl.BlockSpec((B, C), lambda i: (0, 0)),
        ],
        out_shape=[
            jax.ShapeDtypeStruct((B * M, C), jnp.float32),
            jax.ShapeDtypeStruct((B, C), jnp.float32),
            jax.ShapeDtypeStruct((1, 1, B), jnp.float32),
            jax.ShapeDtypeStruct((1, 1, B), jnp.int32),
            jax.ShapeDtypeStruct((B, C), jnp.float32),
        ],
    )(input_encoded, memory_mean)
    kl = kl2.reshape(B)
    flat_idx = idx3.reshape(B)

    post_ref = jax.new_ref(post_flat)
    _sc_scatter(new_rows, flat_idx, post_ref)
    posterior = post_ref[...].reshape(B, M, C)

    return z, posterior, kl

# --- scband reference (transcript-rebuilt; emitter-appended) ---
"""Pipeline reference for scband-tiny-memory-33139967656581 (READ-ONLY COPY).

The authoritative reference and input builder live on the scoring server;
editing this copy changes nothing except your own understanding.
"""

import jax, jax.numpy as jnp
import numpy as np
import math

EPSILON = 1e-06

def setup_inputs(seed: int = 0) -> dict:
    key = jax.random.key(seed)
    k1, k2 = jax.random.split(key)
    input_encoded = jax.random.normal(k1, (1024, 384), dtype=jnp.float32)
    memory_mean = jax.random.normal(k2, (128, 384), dtype=jnp.float32)
    memory_logvar = jnp.zeros((1,), dtype=jnp.float32)
    return {"input_encoded": input_encoded, "memory_mean": memory_mean, "memory_logvar": memory_logvar}

def reference(input_encoded, memory_mean, memory_logvar):
    B = input_encoded.shape[0]
    M, C = memory_mean.shape
    # get_prior_params (prior_cov computed for faithfulness; unused in direct-writing path)
    prior_var = jnp.ones((M,), dtype=memory_mean.dtype) * jnp.exp(memory_logvar[0]) + EPSILON
    prior_cov = jnp.diag(prior_var)
    # write_to_memory (direct_writing=True)
    alpha = 0.1
    posterior = jnp.broadcast_to(memory_mean[None, :, :], (B, M, C))
    # similarities = bmm([B,1,C],[B,C,M]) -> [B,M]
    sims = jnp.einsum('bc,bmc->bm', input_encoded, posterior)
    closest = jnp.argmax(sims, axis=1)
    batch_idx = jnp.arange(B)
    old_rows = posterior[batch_idx, closest]
    new_rows = (1.0 - alpha) * old_rows + alpha * input_encoded
    posterior = posterior.at[batch_idx, closest].set(new_rows)
    dkl_write = jnp.sum((input_encoded - jnp.take(memory_mean, closest, axis=0)) ** 2, axis=1) * 0.5
    # read_with_encoded_input
    scores = jnp.einsum('bc,bmc->bm', input_encoded, posterior) / math.sqrt(C)
    weights = jax.nn.softmax(scores, axis=1)
    z_read = jnp.einsum('bm,bmc->bc', weights, posterior)
    dkl_read = jnp.sum((z_read - input_encoded) ** 2, axis=1) * 0.5
    kl_div = dkl_write + dkl_read
    return (z_read, posterior, kl_div)

if __name__ == "__main__":
    import jax
    _d = setup_inputs()
    print(jax.jit(kernel)(*tuple(_d.values())))

</pallas_src>

<mosaic_0001>
#map = affine_map<(d0, d1) -> (0, 0)>
#map1 = affine_map<(d0, d1) -> (0)>
module attributes {stable_mosaic.version = 14 : i64} {
  func.func @new_body(%arg0: i32, %arg1: i32, %arg2: memref<1024x384xf32, #tpu.memory_space<hbm>>, %arg3: memref<1024xi32, #tpu.memory_space<hbm>>, %arg4: memref<131072x384xf32, #tpu.memory_space<hbm>>, %arg5: memref<131072x384xf32, #tpu.memory_space<hbm>>, %arg6: memref<32x384xf32, #tpu.memory_space<vmem>>, %arg7: memref<32xi32, #tpu.memory_space<vmem>>, %arg8: memref<!tpu.dma_semaphore, #tpu.memory_space<semaphore_mem>>) attributes {dimension_semantics = [#tpu.dimension_semantics<core_parallel>, #tpu.dimension_semantics<subcore_parallel>], iteration_bounds = array<i64: 2, 16>, scalar_prefetch = 0 : i64, scratch_operands = 3 : i64, tpu.core_type = #tpu.core_type<sc_vector_subcore>, window_params = [{transform_indices = #map}, {transform_indices = #map1}, {transform_indices = #map}, {transform_indices = #map}]} {
    %mul3A = arith.constant 2 : i32
    %mul3A_0 = arith.muli %arg1, %mul3A : i32
    %add3A = arith.addi %mul3A_0, %arg0 : i32
    %mul3A_1 = arith.constant 32 : i32
    %mul3A_2 = arith.muli %add3A, %mul3A_1 : i32
    "tpu.region"() ({
      %run_scoped3A = tpu.sem_alloc : memref<!tpu.dma_semaphore, #tpu.memory_space<semaphore_mem>>
      %dma_start3A_7 = arith.constant 0 : i32
      %dma_start3A_8 = tpu.memref_slice %arg2[%mul3A_2, %dma_start3A_7] : memref<1024x384xf32, #tpu.memory_space<hbm>> -> memref<32x384xf32, #tpu.memory_space<hbm>>
      %dma_start3A_9 = arith.constant 0 : i32
      %dma_start3A_10 = tpu.memref_slice %arg2[%mul3A_2, %dma_start3A_9] : memref<1024x384xf32, #tpu.memory_space<hbm>> -> memref<32x384xf32, #tpu.memory_space<hbm>>
      tpu.enqueue_dma source(%dma_start3A_10 : memref<32x384xf32, #tpu.memory_space<hbm>>) target(%arg6 : memref<32x384xf32, #tpu.memory_space<vmem>>) target_semaphore(%run_scoped3A : memref<!tpu.dma_semaphore, #tpu.memory_space<semaphore_mem>>)
      %dma_wait3A_11 = arith.constant 0 : i32
      %dma_wait3A_12 = tpu.memref_slice %arg2[%mul3A_2, %dma_wait3A_11] : memref<1024x384xf32, #tpu.memory_space<hbm>> -> memref<32x384xf32, #tpu.memory_space<hbm>>
      %dma_wait3A_13 = arith.constant 0 : i32
      %dma_wait3A_14 = tpu.memref_slice %arg2[%mul3A_2, %dma_wait3A_13] : memref<1024x384xf32, #tpu.memory_space<hbm>> -> memref<32x384xf32, #tpu.memory_space<hbm>>
      tpu.wait_dma2 semaphore(%run_scoped3A : memref<!tpu.dma_semaphore, #tpu.memory_space<semaphore_mem>>) src(%dma_wait3A_14 : memref<32x384xf32, #tpu.memory_space<hbm>>) dst(%arg6 : memref<32x384xf32, #tpu.memory_space<vmem>>)
      tpu.yield
    }) : () -> ()
    "tpu.region"() ({
      %run_scoped3A = tpu.sem_alloc : memref<!tpu.dma_semaphore, #tpu.memory_space<semaphore_mem>>
      %dma_start3A_7 = tpu.memref_slice %arg3[%mul3A_2] : memref<1024xi32, #tpu.memory_space<hbm>> -> memref<32xi32, #tpu.memory_space<hbm>>
      %dma_start3A_8 = tpu.memref_slice %arg3[%mul3A_2] : memref<1024xi32, #tpu.memory_space<hbm>> -> memref<32xi32, #tpu.memory_space<hbm>>
      tpu.enqueue_dma source(%dma_start3A_8 : memref<32xi32, #tpu.memory_space<hbm>>) target(%arg7 : memref<32xi32, #tpu.memory_space<vmem>>) target_semaphore(%run_scoped3A : memref<!tpu.dma_semaphore, #tpu.memory_space<semaphore_mem>>)
      %dma_wait3A_9 = tpu.memref_slice %arg3[%mul3A_2] : memref<1024xi32, #tpu.memory_space<hbm>> -> memref<32xi32, #tpu.memory_space<hbm>>
      %dma_wait3A_10 = tpu.memref_slice %arg3[%mul3A_2] : memref<1024xi32, #tpu.memory_space<hbm>> -> memref<32xi32, #tpu.memory_space<hbm>>
      tpu.wait_dma2 semaphore(%run_scoped3A : memref<!tpu.dma_semaphore, #tpu.memory_space<semaphore_mem>>) src(%dma_wait3A_10 : memref<32xi32, #tpu.memory_space<hbm>>) dst(%arg7 : memref<32xi32, #tpu.memory_space<vmem>>)
      tpu.yield
    }) : () -> ()
    %dma_start3A = arith.constant 0 : i32
    %dma_start3A_3 = arith.constant 0 : i32
    %dma_start3A_4 = tpu.memref_slice %arg4[%dma_start3A, %dma_start3A_3] : memref<131072x384xf32, #tpu.memory_space<hbm>> -> memref<131072x384xf32, #tpu.memory_space<hbm>>
    tpu.enqueue_indirect_dma source(%arg6 : memref<32x384xf32, #tpu.memory_space<vmem>>) target(%dma_start3A_4 : memref<131072x384xf32, #tpu.memory_space<hbm>>) offsets(%arg7 : memref<32xi32, #tpu.memory_space<vmem>>) semaphore(%arg8 : memref<!tpu.dma_semaphore, #tpu.memory_space<semaphore_mem>>)
    %dma_wait3A = arith.constant 0 : i32
    %dma_wait3A_5 = arith.constant 0 : i32
    %dma_wait3A_6 = tpu.memref_slice %arg4[%dma_wait3A, %dma_wait3A_5] : memref<131072x384xf32, #tpu.memory_space<hbm>> -> memref<131072x384xf32, #tpu.memory_space<hbm>>
    tpu.wait_indirect_dma semaphore(%arg8 : memref<!tpu.dma_semaphore, #tpu.memory_space<semaphore_mem>>) src(%arg6 : memref<32x384xf32, #tpu.memory_space<vmem>>) dst(%dma_wait3A_6 : memref<131072x384xf32, #tpu.memory_space<hbm>>)
    return
  }
}

module attributes {stable_mosaic.version = 14 : i64} {
  func.func @_fused_body(%arg0: i32, %arg1: memref<1024x384xf32, #tpu.memory_space<vmem>>, %arg2: memref<128x384xf32, #tpu.memory_space<vmem>>, %arg3: memref<4096x384xf32, #tpu.memory_space<vmem>>, %arg4: memref<1024x384xf32, #tpu.memory_space<vmem>>, %arg5: memref<1x1x1024xf32, #tpu.memory_space<vmem>>, %arg6: memref<1x1x1024xi32, #tpu.memory_space<vmem>>, %arg7: memref<1024x384xf32, #tpu.memory_space<vmem>>) attributes {dimension_semantics = [#tpu.dimension_semantics<arbitrary>], iteration_bounds = array<i64: 32>, scalar_prefetch = 0 : i64, scratch_operands = 0 : i64, tpu.core_type = #tpu.core_type<tc>, window_params = [{pipeline_mode = #tpu.pipeline_mode<synchronous>, transform_indices = @transform_0, window_bounds = array<i64: 1024, 384>}, {pipeline_mode = #tpu.pipeline_mode<synchronous>, transform_indices = @transform_1, window_bounds = array<i64: 128, 384>}, {transform_indices = @transform_2, window_bounds = array<i64: 4096, 384>}, {pipeline_mode = #tpu.pipeline_mode<synchronous>, transform_indices = @transform_3, window_bounds = array<i64: 1024, 384>}, {pipeline_mode = #tpu.pipeline_mode<synchronous>, transform_indices = @transform_4, window_bounds = array<i64: 1, 1, 1024>}, {pipeline_mode = #tpu.pipeline_mode<synchronous>, transform_indices = @transform_5, window_bounds = array<i64: 1, 1, 1024>}, {pipeline_mode = #tpu.pipeline_mode<synchronous>, transform_indices = @transform_6, window_bounds = array<i64: 1024, 384>}]} {
    %get3A = arith.constant 0 : index
    %get3A_0 = arith.constant 0 : index
    %get3A_1 = vector.load %arg2[%get3A, %get3A_0] : memref<128x384xf32, #tpu.memory_space<vmem>>, vector<128x384xf32>
    %broadcast_in_dim3A = vector.shape_cast %get3A_1 : vector<128x384xf32> to vector<1x128x384xf32>
    %broadcast_in_dim3A_2 = vector.shape_cast %broadcast_in_dim3A : vector<1x128x384xf32> to vector<1x128x384xf32>
    %broadcast_in_dim3A_3 = vector.broadcast %broadcast_in_dim3A_2 : vector<1x128x384xf32> to vector<32x128x384xf32>
    %reshape3A = vector.shape_cast %broadcast_in_dim3A_3 : vector<32x128x384xf32> to vector<4096x384xf32>
    %swap3A = arith.constant 0 : index
    %swap3A_4 = arith.constant 0 : index
    %swap3A_5 = vector.load %arg3[%swap3A, %swap3A_4] : memref<4096x384xf32, #tpu.memory_space<vmem>>, vector<4096x384xf32>
    tpu.vector_store %arg3[%swap3A, %swap3A_4], %reshape3A {strides = array<i32>} : memref<4096x384xf32, #tpu.memory_space<vmem>>, vector<4096x384xf32>,
    %eq3A = arith.constant 31 : i32
    %eq3A_6 = arith.cmpi eq, %arg0, %eq3A : i32
    %convert_element_type3A = arith.extui %eq3A_6 : i1 to i32
    %cond3A = arith.constant 0 : i32
    %cond3A_7 = arith.cmpi ne, %convert_element_type3A, %cond3A : i32
    scf.if %cond3A_7 {
      %get3A_8 = arith.constant 0 : index
      %get3A_9 = arith.constant 0 : index
      %get3A_10 = vector.load %arg1[%get3A_8, %get3A_9] : memref<1024x384xf32, #tpu.memory_space<vmem>>, vector<1024x384xf32>
      %dot_general3A = arith.constant dense<0.000000e+00> : vector<1024x128xf32>
      %dot_general3A_11 = tpu.matmul %get3A_10, %get3A_1, %dot_general3A {dimension_numbers = #tpu.dot_dimension_numbers<[1], [1], [0], [0], [0, 0, 1, 0], [], []>, transpose_lhs_hint = false} : vector<1024x384xf32>, vector<128x384xf32>, vector<1024x128xf32> -> vector<1024x128xf32>
      %argmax3A = tpu.reduce_index %dot_general3A_11 {axis = 1 : i32, kind = #tpu.reduction_kind<arg_max>} : vector<1024x128xf32> -> vector<1024xi32>
      %iota3A = tpu.iota {dimensions = array<i32: 1>} : vector<1024x128xi32>
      %broadcast_in_dim3A_12 = vector.shape_cast %argmax3A : vector<1024xi32> to vector<1024x1xi32>
      %eq3A_13 = vector.broadcast %broadcast_in_dim3A_12 : vector<1024x1xi32> to vector<1024x128xi32>
      %eq3A_14 = arith.cmpi eq, %iota3A, %eq3A_13 : vector<1024x128xi32>
      %convert_element_type3A_15 = arith.extui %eq3A_14 : vector<1024x128xi1> to vector<1024x128xi32>
      %convert_element_type3A_16 = arith.sitofp %convert_element_type3A_15 : vector<1024x128xi32> to vector<1024x128xf32>
      %dot_general3A_17 = arith.constant dense<0.000000e+00> : vector<1024x384xf32>
      %dot_general3A_18 = tpu.matmul %convert_element_type3A_16, %get3A_1, %dot_general3A_17 {dimension_numbers = #tpu.dot_dimension_numbers<[1], [0], [0], [1], [0, 0, 1, 1], [], []>, transpose_lhs_hint = false} : vector<1024x128xf32>, vector<128x384xf32>, vector<1024x384xf32> -> vector<1024x384xf32>
      %sub3A = arith.subf %get3A_10, %dot_general3A_18 : vector<1024x384xf32>
      %mul3A = arith.constant 1.000000e-01 : f32
      %mul3A_19 = vector.broadcast %mul3A : f32 to vector<1024x384xf32>
      %mul3A_20 = arith.mulf %mul3A_19, %sub3A : vector<1024x384xf32>
      %mul3A_21 = arith.mulf %get3A_10, %get3A_10 : vector<1024x384xf32>
      %reduce_sum3A = arith.constant dense<0.000000e+00> : vector<1024xf32>
      %reduce_sum3A_22 = vector.multi_reduction <add>, %mul3A_21, %reduce_sum3A [1] : vector<1024x384xf32> to vector<1024xf32>
      %mul3A_23 = arith.mulf %dot_general3A_11, %convert_element_type3A_16 : vector<1024x128xf32>
      %reduce_sum3A_24 = arith.constant dense<0.000000e+00> : vector<1024xf32>
      %reduce_sum3A_25 = vector.multi_reduction <add>, %mul3A_23, %reduce_sum3A_24 [1] : vector<1024x128xf32> to vector<1024xf32>
      %mul3A_26 = arith.constant 0.899999976 : f32
      %mul3A_27 = vector.broadcast %mul3A_26 : f32 to vector<1024xf32>
      %mul3A_28 = arith.mulf %mul3A_27, %reduce_sum3A_25 : vector<1024xf32>
      %mul3A_29 = arith.constant 1.000000e-01 : f32
      %mul3A_30 = vector.broadcast %mul3A_29 : f32 to vector<1024xf32>
      %mul3A_31 = arith.mulf %mul3A_30, %reduce_sum3A_22 : vector<1024xf32>
      %add3A = arith.addf %mul3A_28, %mul3A_31 : vector<1024xf32>
      %broadcast_in_dim3A_32 = vector.shape_cast %add3A : vector<1024xf32> to vector<1024x1xf32>
      %broadcast_in_dim3A_33 = vector.shape_cast %broadcast_in_dim3A_32 : vector<1024x1xf32> to vector<1024x1xf32>
      %broadcast_in_dim3A_34 = vector.broadcast %broadcast_in_dim3A_33 : vector<1024x1xf32> to vector<1024x128xf32>
      %select_n3A = arith.select %eq3A_14, %broadcast_in_dim3A_34, %dot_general3A_11 : vector<1024x128xi1>, vector<1024x128xf32>
      %mul3A_35 = arith.constant 0.0510310382 : f32
      %mul3A_36 = vector.broadcast %mul3A_35 : f32 to vector<1024x128xf32>
      %mul3A_37 = arith.mulf %select_n3A, %mul3A_36 : vector<1024x128xf32>
      %reduce_max3A = arith.constant dense<0xFF800000> : vector<1024xf32>
      %reduce_max3A_38 = vector.multi_reduction <maximumf>, %mul3A_37, %reduce_max3A [1] : vector<1024x128xf32> to vector<1024xf32>
      %broadcast_in_dim3A_39 = vector.shape_cast %reduce_max3A_38 : vector<1024xf32> to vector<1024x1xf32>
      %sub3A_40 = vector.broadcast %broadcast_in_dim3A_39 : vector<1024x1xf32> to vector<1024x128xf32>
      %sub3A_41 = arith.subf %mul3A_37, %sub3A_40 : vector<1024x128xf32>
      %exp3A = math.exp %sub3A_41 : vector<1024x128xf32>
      %reduce_sum3A_42 = arith.constant dense<0.000000e+00> : vector<1024xf32>
      %reduce_sum3A_43 = vector.multi_reduction <add>, %exp3A, %reduce_sum3A_42 [1] : vector<1024x128xf32> to vector<1024xf32>
      %broadcast_in_dim3A_44 = vector.shape_cast %reduce_sum3A_43 : vector<1024xf32> to vector<1024x1xf32>
      %div3A = vector.broadcast %broadcast_in_dim3A_44 : vector<1024x1xf32> to vector<1024x128xf32>
      %div3A_45 = arith.divf %exp3A, %div3A : vector<1024x128xf32>
      %dot_general3A_46 = arith.constant dense<0.000000e+00> : vector<1024x384xf32>
      %dot_general3A_47 = tpu.matmul %div3A_45, %get3A_1, %dot_general3A_46 {dimension_numbers = #tpu.dot_dimension_numbers<[1], [0], [0], [1], [0, 0, 1, 1], [], []>, transpose_lhs_hint = false} : vector<1024x128xf32>, vector<128x384xf32>, vector<1024x384xf32> -> vector<1024x384xf32>
      %mul3A_48 = arith.mulf %div3A_45, %convert_element_type3A_16 : vector<1024x128xf32>
      %reduce_sum3A_49 = arith.constant dense<0.000000e+00> : vector<1024xf32>
      %reduce_sum3A_50 = vector.multi_reduction <add>, %mul3A_48, %reduce_sum3A_49 [1] : vector<1024x128xf32> to vector<1024xf32>
      %broadcast_in_dim3A_51 = vector.shape_cast %reduce_sum3A_50 : vector<1024xf32> to vector<1024x1xf32>
      %mul3A_52 = vector.broadcast %broadcast_in_dim3A_51 : vector<1024x1xf32> to vector<1024x384xf32>
      %mul3A_53 = arith.mulf %mul3A_52, %mul3A_20 : vector<1024x384xf32>
      %add3A_54 = arith.addf %dot_general3A_47, %mul3A_53 : vector<1024x384xf32>
      %swap3A_55 = arith.constant 0 : index
      %swap3A_56 = arith.constant 0 : index
      %swap3A_57 = vector.load %arg4[%swap3A_55, %swap3A_56] : memref<1024x384xf32, #tpu.memory_space<vmem>>, vector<1024x384xf32>
      tpu.vector_store %arg4[%swap3A_55, %swap3A_56], %add3A_54 {strides = array<i32>} : memref<1024x384xf32, #tpu.memory_space<vmem>>, vector<1024x384xf32>,
      %mul3A_58 = arith.mulf %sub3A, %sub3A : vector<1024x384xf32>
      %reduce_sum3A_59 = arith.constant dense<0.000000e+00> : vector<1024xf32>
      %reduce_sum3A_60 = vector.multi_reduction <add>, %mul3A_58, %reduce_sum3A_59 [1] : vector<1024x384xf32> to vector<1024xf32>
      %sub3A_61 = arith.subf %add3A_54, %get3A_10 : vector<1024x384xf32>
      %integer_pow3A = arith.mulf %sub3A_61, %sub3A_61 : vector<1024x384xf32>
      %reduce_sum3A_62 = arith.constant dense<0.000000e+00> : vector<1024xf32>
      %reduce_sum3A_63 = vector.multi_reduction <add>, %integer_pow3A, %reduce_sum3A_62 [1] : vector<1024x384xf32> to vector<1024xf32>
      %add3A_64 = arith.addf %reduce_sum3A_60, %reduce_sum3A_63 : vector<1024xf32>
      %mul3A_65 = arith.constant 5.000000e-01 : f32
      %mul3A_66 = vector.broadcast %mul3A_65 : f32 to vector<1024xf32>
      %mul3A_67 = arith.mulf %mul3A_66, %add3A_64 : vector<1024xf32>
      %swap3A_68 = arith.constant 0 : index
      %swap3A_69 = arith.constant 0 : index
      %swap3A_70 = arith.constant 0 : index
      %swap3A_71 = vector.load %arg5[%swap3A_68, %swap3A_69, %swap3A_70] : memref<1x1x1024xf32, #tpu.memory_space<vmem>>, vector<1x1x1024xf32>
      %swap3A_72 = vector.shape_cast %swap3A_71 : vector<1x1x1024xf32> to vector<1024xf32>
      %swap3A_73 = vector.shape_cast %mul3A_67 : vector<1024xf32> to vector<1x1x1024xf32>
      tpu.vector_store %arg5[%swap3A_68, %swap3A_69, %swap3A_70], %swap3A_73 {strides = array<i32>} : memref<1x1x1024xf32, #tpu.memory_space<vmem>>, vector<1x1x1024xf32>,
      %iota3A_74 = tpu.iota {dimensions = array<i32: 1>} : vector<1x1024xi32>
      %iota3A_75 = vector.shape_cast %iota3A_74 : vector<1x1024xi32> to vector<1024xi32>
      %mul3A_76 = arith.constant 128 : i32
      %mul3A_77 = vector.broadcast %mul3A_76 : i32 to vector<1024xi32>
      %mul3A_78 = arith.muli %mul3A_77, %iota3A_75 : vector<1024xi32>
      %add3A_79 = arith.addi %argmax3A, %mul3A_78 : vector<1024xi32>
      %swap3A_80 = arith.constant 0 : index
      %swap3A_81 = arith.constant 0 : index
      %swap3A_82 = arith.constant 0 : index
      %swap3A_83 = vector.load %arg6[%swap3A_80, %swap3A_81, %swap3A_82] : memref<1x1x1024xi32, #tpu.memory_space<vmem>>, vector<1x1x1024xi32>
      %swap3A_84 = vector.shape_cast %swap3A_83 : vector<1x1x1024xi32> to vector<1024xi32>
      %swap3A_85 = vector.shape_cast %add3A_79 : vector<1024xi32> to vector<1x1x1024xi32>
      tpu.vector_store %arg6[%swap3A_80, %swap3A_81, %swap3A_82], %swap3A_85 {strides = array<i32>} : memref<1x1x1024xi32, #tpu.memory_space<vmem>>, vector<1x1x1024xi32>,
      %add3A_86 = arith.addf %dot_general3A_18, %mul3A_20 : vector<1024x384xf32>
      %swap3A_87 = arith.constant 0 : index
      %swap3A_88 = arith.constant 0 : index
      %swap3A_89 = vector.load %arg7[%swap3A_87, %swap3A_88] : memref<1024x384xf32, #tpu.memory_space<vmem>>, vector<1024x384xf32>
      tpu.vector_store %arg7[%swap3A_87, %swap3A_88], %add3A_86 {strides = array<i32>} : memref<1024x384xf32, #tpu.memory_space<vmem>>, vector<1024x384xf32>,
    } else {
    }
    return
  }
  func.func @transform_0(%arg0: i32) -> (i32, i32) {
    %c0_i32 = arith.constant 0 : i32
    %c0_i32_0 = arith.constant 0 : i32
    %c0_i32_1 = arith.constant 0 : i32
    return %c0_i32, %c0_i32_0 : i32, i32
  }
  func.func @transform_1(%arg0: i32) -> (i32, i32) {
    %c0_i32 = arith.constant 0 : i32
    %c0_i32_0 = arith.constant 0 : i32
    %c0_i32_1 = arith.constant 0 : i32
    return %c0_i32, %c0_i32_0 : i32, i32
  }
  func.func @transform_2(%arg0: i32) -> (i32, i32) {
    %c0_i32 = arith.constant 0 : i32
    %c0_i32_0 = arith.constant 0 : i32
    return %arg0, %c0_i32 : i32, i32
  }
  func.func @transform_3(%arg0: i32) -> (i32, i32) {
    %c0_i32 = arith.constant 0 : i32
    %c0_i32_0 = arith.constant 0 : i32
    %c0_i32_1 = arith.constant 0 : i32
    return %c0_i32, %c0_i32_0 : i32, i32
  }
  func.func @transform_4(%arg0: i32) -> (i32, i32, i32) {
    %c0_i32 = arith.constant 0 : i32
    %c0_i32_0 = arith.constant 0 : i32
    %c0_i32_1 = arith.constant 0 : i32
    %c0_i32_2 = arith.constant 0 : i32
    return %c0_i32, %c0_i32_0, %c0_i32_1 : i32, i32, i32
  }
  func.func @transform_5(%arg0: i32) -> (i32, i32, i32) {
    %c0_i32 = arith.constant 0 : i32
    %c0_i32_0 = arith.constant 0 : i32
    %c0_i32_1 = arith.constant 0 : i32
    %c0_i32_2 = arith.constant 0 : i32
    return %c0_i32, %c0_i32_0, %c0_i32_1 : i32, i32, i32
  }
  func.func @transform_6(%arg0: i32) -> (i32, i32) {
    %c0_i32 = arith.constant 0 : i32
    %c0_i32_0 = arith.constant 0 : i32
    %c0_i32_1 = arith.constant 0 : i32
    return %c0_i32, %c0_i32_0 : i32, i32
  }
}

</mosaic_0001>

<sc_bundles>
// kernel: kernel.4.cloned.1.call-start
scs
__scs_entry_jumppad:
0x0: {  	(pc) =	sbr.rel $0x88, $3  }
0x1: {  	(tag) =	ssettag $0x0;
	lr =	simm.s32 $0x1  }
0x2: {  	[smem:$0x3F9F] =	sst lr;
	_ =	strace $0xD0000000  }
0x3: {  	_ = 	snop  }
0x4: {  	_ = 	snop  }
0x5: {  	_ = 	snop  }
0x6: {  	_ = 	snop  }
0x7: {  	_ = 	snop  }
__scs_overlays_trampoline_lowered:
0x8: {  	[smem:$0x3FAE] =	sst s0  }
0x9: {  	[smem:$0x3FAF] =	sst s1  }
0xa: {  	[smem:$0x3FB0] =	sst s2  }
0xb: {  	[smem:$0x3FB1] =	sst s3  }
0xc: {  	[smem:$0x3FB2] =	sst s4  }
0xd: {  	[smem:$0x3FB3] =	sst s5  }
0xe: {  	[smem:$0x3FB4] =	sst s6  }
0xf: {  	[smem:$0x3FB5] =	sst s7  }
0x10: {  	[smem:$0x3FB6] =	sst s8  }
0x11: {  	[smem:$0x3FB7] =	sst s9;
	s0 =	simm.s32 @!p0 $0x0  }
0x12: {  	s1 =	sld [smem:$0x3F9D];
	s0 =	simm.s32 @p0 $0x1  }
0x13: {  	[smem:$0x3FB8] =	sst s0;
	s0 =	simm.s32 @!p1 $0x0  }
0x14: {  	s2 =	sld [smem:$0x3F9C];
	s0 =	simm.s32 @p1 $0x1  }
0x15: {  	[smem:$0x3FB9] =	sst s0;
	s0 =	simm.s32 @!p2 $0x0  }
0x16: {  	s3 =	sld [smem:$0x3FDB];
	s0 =	simm.s32 @p2 $0x1  }
0x17: {  	s4 =	simm.s32 $0x1BF5;
	[smem:$0x3FBB] =	sst s0  }
0x18: {  	s0 =	sld [smem:$0x3F9E];
	_ =	swait.ge [sflag:s4], $0x0  }
0x19: {  	s7 =	sld [smem:$0x3F9F]  }
0x1a: {  	s8 =	sadd.s32 $0xFFFFE003, lr  }
0x1b: {  	s9 =	sadd.s32 $0xFFFFFEF7, lr;
	s5 =	simm.s32 $0xFFFFFFFF;
	p2 =	slt.u32 s8, $0xFFFFF086  }
0x1c: {  	p1 =	slt.u32 s9, $0xF7A;
	s5 =	simm.s32 @!p2 $0x0  }
0x1d: {  	s5 =	simm.s32 @p1 $0x1;
	p0 =	seq.s32 s7, s2  }
0x1e: {  	s7 =	smul.u32 @!p0 $0xF7A, s2;
	p2 =	seq.s32 @!p0 s5, $0x0  }
0x1f: {  	s9 =	smul.u32 $0xF7A, s1;
	s8 =	simm.s32 @!p0 $0x1BF5;
	p2 =	por !p2, p0  }
0x20: {  	[sflag:s8] =	ssyncset.s32 @!p0 $0xFFFFF086;
	s6 =	sadd.s32 @!p0 s3, s7;
	s7 =	simm.s32 @!p0 $0x108  }
0x21: {  	s3 =	sadd.s32 s3, s9;
	s6 =	sadd.s32 @!p0 $0x88, s6;
	s7 =	simm.s32 @p2 $0x1082  }
0x22: {  	[simem:s7], [sflag:s8] =	dma.local @!p0 [hbm:s6], $0xF7A  }
0x23: {  	s9 =	sor.u32 $0xD0000000, s2;
	s6 =	simm.s32 $0x108;
	_ =	swait.ge @!p0 [sflag:s8], $0x0  }
0x24: {  	s3 =	sadd.s32 $0x88, s3;
	s6 =	simm.s32 @!p1 $0x1082;
	[sflag:s4] =	ssyncset.s32 $0xFFFFF086  }
0x25: {  	[simem:s6], [sflag:s4] =	dma.local [hbm:s3], $0xF7A  }
0x26: {  	[smem:$0x3F9F] =	sst s1;
	(tag) =	ssettag s2;
	_ =	strace s9  }
0x27: {  	s1 =	sld [smem:$0x3FAF]  }
0x28: {  	s2 =	sld [smem:$0x3FB0]  }
0x29: {  	s4 =	sld [smem:$0x3FB2]  }
0x2a: {  	p0 =	seq.s32 s5, $0x0;
	s5 =	sld [smem:$0x3FB3]  }
0x2b: {  	s6 =	sld [smem:$0x3FB4]  }
0x2c: {  	s7 =	sld [smem:$0x3FB5]  }
0x2d: {  	s3 =	simm.s32 $0x108;
	s8 =	sld [smem:$0x3FB6]  }
0x2e: {  	s3 =	simm.s32 @!p0 $0x1082;
	s9 =	sld [smem:$0x3FB7]  }
0x2f: {  	lr =	sadd.s32 s0, s3;
	s0 =	sld [smem:$0x3FAE]  }
0x30: {  	s3 =	sld [smem:$0x3FB1]  }
0x31: {  	[smem:$0x3FBA] =	sst s10  }
0x32: {  	s10 =	sld [smem:$0x3FB8];
	_ =	sdelay $0x3  }
0x33: {  	p0 =	seq.s32 s10, $0x1;
	s10 =	sld [smem:$0x3FBA];
	_ =	sdelay $0x3  }
0x34: {  	[smem:$0x3FBA] =	sst s10  }
0x35: {  	s10 =	sld [smem:$0x3FB9];
	_ =	sdelay $0x3  }
0x36: {  	p1 =	seq.s32 s10, $0x1;
	s10 =	sld [smem:$0x3FBA];
	_ =	sdelay $0x3  }
0x37: {  	[smem:$0x3FBA] =	sst s10  }
0x38: {  	s10 =	sld [smem:$0x3FBB]  }
0x39: {  	_ = 	snop;
	(pc) =	sbr.ind lr, $3  }
0x3a: {  	_ = 	snop  }
0x3b: {  	_ = 	snop  }
0x3c: {  	p2 =	seq.s32 s10, $0x1;
	s10 =	sld [smem:$0x3FBA]  }
0x3d: {  	_ =	shalt  }
0x3e: {  	_ =	shalt  }
0x3f: {  	_ =	shalt  }
0x40: {  	_ =	shalt  }
0x41: {  	_ =	shalt  }
0x42: {  	_ =	shalt  }
0x43: {  	_ =	shalt  }
0x44: {  	_ =	shalt  }
0x45: {  	_ =	shalt  }
0x46: {  	_ =	shalt  }
0x47: {  	_ =	shalt  }
0x48: {  	_ =	shalt  }
0x49: {  	_ =	shalt  }
0x4a: {  	_ =	shalt  }
0x4b: {  	_ =	shalt  }
0x4c: {  	_ =	shalt  }
0x4d: {  	_ =	shalt  }
0x4e: {  	_ =	shalt  }
0x4f: {  	_ =	shalt  }
0x50: {  	_ =	shalt  }
0x51: {  	_ =	shalt  }
0x52: {  	_ =	shalt  }
0x53: {  	_ =	shalt  }
0x54: {  	_ =	shalt  }
0x55: {  	_ =	shalt  }
0x56: {  	_ =	shalt  }
0x57: {  	_ =	shalt  }
0x58: {  	_ =	shalt  }
0x59: {  	_ =	shalt  }
0x5a: {  	_ =	shalt  }
0x5b: {  	_ =	shalt  }
0x5c: {  	_ =	shalt  }
0x5d: {  	_ =	shalt  }
0x5e: {  	_ =	shalt  }
0x5f: {  	_ =	shalt  }
0x60: {  	_ =	shalt  }
0x61: {  	_ =	shalt  }
0x62: {  	_ =	shalt  }
0x63: {  	_ =	shalt  }
0x64: {  	_ =	shalt  }
0x65: {  	_ =	shalt  }
0x66: {  	_ =	shalt  }
0x67: {  	_ =	shalt  }
0x68: {  	_ =	shalt  }
0x69: {  	_ =	shalt  }
0x6a: {  	_ =	shalt  }
0x6b: {  	_ =	shalt  }
0x6c: {  	_ =	shalt  }
0x6d: {  	_ =	shalt  }
0x6e: {  	_ =	shalt  }
0x6f: {  	_ =	shalt  }
0x70: {  	_ =	shalt  }
0x71: {  	_ =	shalt  }
0x72: {  	_ =	shalt  }
0x73: {  	_ =	shalt  }
0x74: {  	_ =	shalt  }
0x75: {  	_ =	shalt  }
0x76: {  	_ =	shalt  }
0x77: {  	_ =	shalt  }
0x78: {  	_ =	shalt  }
0x79: {  	_ =	shalt  }
0x7a: {  	_ =	shalt  }
0x7b: {  	_ =	shalt  }
0x7c: {  	_ =	shalt  }
0x7d: {  	_ =	shalt  }
0x7e: {  	_ =	shalt  }
0x7f: {  	_ =	shalt  }
0x80: {  	_ =	shalt  }
0x81: {  	_ =	shalt  }
0x82: {  	_ =	shalt  }
0x83: {  	_ =	shalt  }
0x84: {  	_ =	shalt  }
0x85: {  	_ =	shalt  }
0x86: {  	_ =	shalt  }
0x87: {  	_ =	shalt  }
.Lfunc_end0:
.L_simem_size_0:
called_computation_lowered:
.L_overlay_start_0:
0x88: {  	s2 =	sld [smem:$0x3FD9]  }
0x89: {  	s3 =	sld [smem:$0x3FFE];
	_ =	sdelay $0x1  }
0x8a: {  	s1 =	srdreg.scid  }
0x8b: {  	s0 =	sand.u32 $0x1, s1  }
0x8c: {  	s14 =	sshll.u32 s0, $0xA;
	s2 =	sadd.s32 s3, s2  }
0x8d: {  	s2 =	sadd.s32 s2, s14  }
0x8e: {  	[smem:$0x3FC6] =	sst s2  }
0x8f: {  	_ = 	snop  }
0x90: {  	s2 =	sld [smem:$0x3FD0];
	_ =	sdelay $0x2  }
0x91: {  	s15 =	simm.s32 $0xA;
	s4 =	simm.s32 $0x10  }
0x92: {  	[smem:s4], [sflag:s15] =	dma.local [hbm:s2], $0x1  }
0x93: {  	_ =	swait.eq [sflag:s15], $0x1  }
0x94: {  	[sflag:s15] =	ssyncset.done $0x0  }
0x95: {  	[sflag:s15] =	ssyncadd.s32 $0xFFFFFFFF  }
0x96: {  	s16 =	sld [smem:$0x11];
	(tm) =	ssettm $0x1  }
0x97: {  	s17 =	sld [smem:$0x3FFB];
	_ =	sdelay $0x3  }
0x98: {  	_ =	strace s17  }
0x99: {  	s3 =	sld [smem:$0x3FFC];
	_ =	sdelay $0x3  }
0x9a: {  	_ =	strace s3  }
0x9b: {  	s3 =	sld [smem:$0x3FFD];
	_ =	sdelay $0x3  }
0x9c: {  	_ =	strace s3  }
0x9d: {  	_ =	strace $0x8FFFFFFF  }
0x9e: {  	s18 =	sld [smem:$0x3FDB];
	_ =	sdelay $0x1  }
0x9f: {  	s19 =	simm.s32 $_scs_section_size  }
0xa0: {  	s5 =	simm.s32 $_size__tile_overlayer_lowered;
	s6 =	simm.s32 $_tile_overlayer_lowered  }
0xa1: {  	s22 =	simm.s32 $0x1BFF;
	s21 =	sshll.u32 s6, $0x1;
	s3 =	sadd.s32 s19, s18  }
0xa2: {  	s7 =	simm.s32 $0x0;
	s20 =	sshll.u32 s5, $0x1;
	s5 =	sadd.s32 s21, s3  }
0xa3: {  	[timem:s7], [sflag:s22] =	dma.local [hbm:s5], s20  }
0xa4: {  	_ =	swait.ge [sflag:s22], s20  }
0xa5: {  	s4 =	ssub.s32 $0x0, s20;
	[sflag:s22] =	ssyncset.done $0x0  }
0xa6: {  	[sflag:s22] =	ssyncadd.s32 s4;
	_ =	sdelay $0x1  }
0xa7: {  	s23 =	simm.s32 $0x1B8B  }
0xa8: {  	_ =	swait.ge [sflag:s23], $0x1  }
0xa9: {  	[sflag:s23] =	ssyncset.done $0x0  }
0xaa: {  	s25 =	simm.s32 $0x1B8E;
	s24 =	sld [smem:$0x3FFE];
	[sflag:s23] =	ssyncadd.s32 $0xFFFFFFFF  }
0xab: {  	s26 =	simm.s32 $execute0_lowered;
	[smem:$0x3FD2] =	sst s25  }
0xac: {  	s5 =	sshll.u32 s26, $0x1;
	_ =	strace $0x80000046;
	[dreg:$0x1] =	wrdreg $0xFFFFFFFF  }
0xad: {  	s28 =	simm.s32 $_size_execute0_lowered;
	s3 =	sadd.s32 s3, s5;
	[dreg:$0x0] =	wrdreg $0x0  }
0xae: {  	s5 =	sshll.u32 s28, $0x1;
	[dreg:$0x2] =	wrdreg s3  }
0xaf: {  	[dreg:$0x3] =	wrdreg s5  }
0xb0: {  	[dreg:$0x4] =	wrdreg $0xC0  }
0xb1: {  	_ =	task [dreg:s7], $0x5FFFF  }
0xb2: {  	[dreg:$0x1] =	wrdreg $0xFFFFFFFF  }
0xb3: {  	[dreg:$0x0] =	wrdreg $0x60  }
0xb4: {  	[dreg:$0x2] =	wrdreg s24  }
0xb5: {  	[dreg:$0x3] =	wrdreg s16  }
0xb6: {  	[dreg:$0x4] =	wrdreg $0x9  }
0xb7: {  	_ =	task.clear_ibuf [dreg:s7], $0x5FFFF;
	_ =	strace $0x90000046  }
0xb8: {  	s29 =	simm.s32 $0x9;
	_ =	strace $0x80000048  }
0xb9: {  	_ =	swait.ge [sflag:s29], $0x1  }
0xba: {  	[sflag:s29] =	ssyncadd.s32 $0xFFFFFFFF  }
0xbb: {  	_ =	strace $0x90000048  }
0xbc: {  	_ =	sfence  }
0xbd: {  	s30 =	sld [smem:$0x0];
	_ =	sdelay $0x2  }
0xbe: {  	s31 =	sshll.u32 s1, $0xD;
	s1 =	sshrl.u32 s1, $0x2  }
0xbf: {  	s3 =	sand.u32 $0x4000, s31;
	s1 =	sadd.s32 s1, s30  }
0xc0: {  	s0 =	sor.u32 s3, s0;
	s1 =	sshll.u32 s1, $0x11  }
0xc1: {  	s0 =	sor.u32 s1, s0  }
0xc2: {  	s0 =	sadd.s32 $0x8F2B, s0  }
0xc3: {  	[sflag:s0] =	ssyncadd.remote.s32 $0x1  }
0xc4: {  	_ =	sfence.sel $0xFFFF  }
0xc5: {  	[dreg:$0x0] =	wrdreg $0xFFFFFFFF;
	(pc) =	sbr.abs _section_cstart, $3  }
0xc6: {  	[dreg:$0x1] =	wrdreg $0xFFFFFFFF  }
0xc7: {  	_ =	task.clear_ibuf [dreg:s7], $0x2FFFF;
	_ =	strace $0x9FFFFFFF  }
0xc8: {  	(tm) =	ssettm $0x7FFFFFFF  }
0xc9: {  	_ =	shalt  }
tec
execute0_lowered:
.L_overlay_start_1:
0x0: {  	(tag) =	ssettag $0x1  }
0x1: {  	s1 =	srdreg.scid;
	s4 =	rddreg [dreg:$0x0]  }
0x2: {  	s0 =	stileid.u32;
	s2 =	rddreg [dreg:$0x1];
	s3 =	simm.s32 $0x0  }
0x3: {  	s9 =	simm.s32 $0x3000;
	s10 =	simm.s32 $0x800;
	s11 =	simm.s32 $0xC00  }
0x4: {  	s12 =	simm.s32 $0x1400;
	s13 =	simm.s32 $0x1800;
	s14 =	simm.s32 $0x2000  }
0x5: {  	s15 =	simm.s32 $0x2400;
	s16 =	simm.s32 $0x2C00;
	s5 =	sand.u32 $0x1, s1  }
0x6: {  	s17 =	simm.s32 $0x1;
	s6 =	sshll.u32 s0, $0x3;
	s7 =	sshll.u32 s5, $0x2  }
0x7: {  	s1 =	rddreg [dreg:$0x2];
	s5 =	ssub.s32 $0x2, s5;
	s6 =	sor.u32 s7, s6  }
0x8: {  	[smem:$0x7FF] =	sst s3;
	s31 =	sshrl.u32 s5, $0x1;
	s7 =	smul.u32 $0x180, s6  }
0x9: {  	v2 =	vlaneseq.u32;
	_ =	strace $0x80000047;
	s6 =	sadd.s32 s6, s4;
	s8 =	ssub.s32 s5, s31  }
0xa: {  	vm0 =	vmmov $0xffff;
	vm1 =	vmmov $0xff;
	v1 =	vshrl.u32 v2, $0x3;
	s5 =	sadd.s32 $0xCE00, s6;
	s6 =	sadd.s32 $0x100, s2;
	s7 =	sadd.s32 s7, s4  }
0xb: {  	v0 =	vand.u32 $0x7, v2;
	v2 =	vor.u32 $0x8, v2;
	v1 =	vmul.u32 $0x8, v1;
	s4 =	sadd.s32 $0xE00, s7;
	s7 =	smax.u32 s8, $0x1;
	s8 =	simm.s32 $0x2  }
.LBB2_1:
0xc: {  	[tilespmem:s3], [sflag:$0x2] =	stream.linear.gather [hbm4b:s4+s3], $0x3000, $0x38;
	[tilespmem:$0x3080] =	vst v63  }
0xd: {  	_ =	swait.ge [sflag:s8], $0x3000  }
0xe: {  	[sflag:s8] =	ssyncset.done $0x0  }
0xf: {  	[sflag:s8] =	ssyncadd.s32 $0xFFFFD000  }
0x10: {  	[tilespmem:s9], [sflag:$0x2] =	stream.linear.gather [hbm4b:s5+s3], $0x20, $0x38;
	[tilespmem:$0x3080] =	vst v63  }
0x11: {  	_ =	swait.ge [sflag:s8], $0x20  }
0x12: {  	[sflag:s8] =	ssyncset.done $0x0  }
0x13: {  	[sflag:s8] =	ssyncadd.s32 $0xFFFFFFE0  }
0x14: {  	v3 =	vld [tilespmem:$0x3000];
	_ =	sdelay $0x4  }
0x15: {  	v4 =	vshrl.u32 v3, $0x3  }
0x16: {  	v4 =	vmul.u32 $0x18, v4  }
0x17: {  	v3 =	vand.u32 $0x7, v3  }
0x18: {  	v3 =	vor.u32 v3, v4  }
0x19: {  	v4 =	vperm.xlane v3, v0;
	_ =	sdelay $0x1  }
0x1a: {  	v4 =	vadd.s32 v1, v4;
	_ =	sdelay $0x1  }
0x1b: {  	v3 =	vperm.xlane v3, v2;
	_ =	sdelay $0x1  }
0x1c: {  	v3 =	vadd.s32 v1, v3  }
0x1d: {  	[hbm4b:s2+s3] =	stream.indirect_vreg.scatter [tilespmem:s3], [sflag:$0x1], $0x80, v4, vm0, $0xb8;
	[tilespmem:$0x3080] =	vst v63  }
0x1e: {  	_ = 	snop  }
0x1f: {  	[hbm4b:s6+s3] =	stream.indirect_vreg.scatter [tilespmem:s10], [sflag:$0x1], $0x80, v4, vm1, $0xb8;
	[tilespmem:$0x3080] =	vst v63  }
0x20: {  	_ = 	snop  }
0x21: {  	[hbm4b:s2+s3] =	stream.indirect_vreg.scatter [tilespmem:s11], [sflag:$0x1], $0x80, v3, vm0, $0xb8;
	[tilespmem:$0x3080] =	vst v63  }
0x22: {  	_ = 	snop  }
0x23: {  	[hbm4b:s6+s3] =	stream.indirect_vreg.scatter [tilespmem:s12], [sflag:$0x1], $0x80, v3, vm1, $0xb8;
	[tilespmem:$0x3080] =	vst v63  }
0x24: {  	v3 =	vld [tilespmem:$0x3010];
	_ =	sdelay $0x4  }
0x25: {  	v63 =	vshrl.u32 v3, $0x3  }
0x26: {  	v4 =	vmul.u32 $0x18, v63  }
0x27: {  	v3 =	vand.u32 $0x7, v3  }
0x28: {  	v3 =	vor.u32 v3, v4  }
0x29: {  	v4 =	vperm.xlane v3, v0;
	_ =	sdelay $0x1  }
0x2a: {  	v4 =	vadd.s32 v1, v4;
	_ =	sdelay $0x1  }
0x2b: {  	v3 =	vperm.xlane v3, v2;
	_ =	sdelay $0x1  }
0x2c: {  	v3 =	vadd.s32 v1, v3  }
0x2d: {  	[hbm4b:s2+s3] =	stream.indirect_vreg.scatter [tilespmem:s13], [sflag:$0x1], $0x80, v4, vm0, $0xb8;
	[tilespmem:$0x3080] =	vst v63  }
0x2e: {  	_ = 	snop  }
0x2f: {  	[hbm4b:s6+s3] =	stream.indirect_vreg.scatter [tilespmem:s14], [sflag:$0x1], $0x80, v4, vm1, $0xb8;
	[tilespmem:$0x3080] =	vst v63  }
0x30: {  	p0 =	sne.s32 s7, $0x1  }
0x31: {  	[hbm4b:s2+s3] =	stream.indirect_vreg.scatter [tilespmem:s15], [sflag:$0x1], $0x80, v3, vm0, $0xb8;
	[tilespmem:$0x3080] =	vst v63  }
.Ltmp0:
0x32: {  	_ = 	snop;
	(pc) =	sbr.rel @p0 .LBB2_1-.Ltmp0, $4  }
0x33: {  	[hbm4b:s6+s3] =	stream.indirect_vreg.scatter [tilespmem:s16], [sflag:$0x1], $0x80, v3, vm1, $0xb8;
	[tilespmem:$0x3080] =	vst v63  }
0x34: {  	_ =	swait.ge [sflag:s17], $0x3000  }
0x35: {  	[sflag:s17] =	ssyncset.done $0x0  }
0x36: {  	s7 =	sadd.s32 $0xFFFFFFFF, s7;
	[sflag:s17] =	ssyncadd.s32 $0xFFFFD000  }
0x37: {  	_ =	sfence.sel $0x180000  }
0x38: {  	[bflag:$0x0] =	sbarrier.arrive $0xFFFF  }
0x39: {  	p0 =	sne.s32 s0, $0x0;
	_ =	strace $0x90000047  }
0x3a: {  	s0 =	sadd.s32 @!p0 $0x100000, s1;
	[bflag:$0x2] =	sbarrier.arrive $0xFFFF  }
0x3b: {  	[sflag:s0] =	ssyncadd.tile.s32 @!p0 $0x1;
	_ =	shalt  }
.Lfunc_end2:
_tile_overlayer_lowered:
.L_overlay_start_2:
0x3c: {  	(tag) =	ssettag $0x2  }
0x3d: {  	s0 =	rddreg [dreg:$0x0];
	s2 =	stileid.u32  }
0x3e: {  	s1 =	rddreg [dreg:$0x1];
	p0 =	sne.s32 s2, $0x0  }
0x3f: {  	s3 =	rddreg [dreg:$0x2];
	[bflag:$0x3] =	sbarrier.arrive $0xFFFF;
	s2 =	simm.s32 @!p0 $0x1C02  }
0x40: {  	[timem:s3], [sflag:s2] =	dma.local @!p0 [hbm:s0], s1  }
0x41: {  	s0 =	simm.s32 @!p0 $0x2  }
0x42: {  	_ =	swait.ge @!p0 [sflag:s0], s1  }
0x43: {  	s1 =	ssub.s32 @!p0 $0x0, s1;
	[sflag:s0] =	ssyncset.done @!p0 $0x0  }
0x44: {  	[sflag:s0] =	ssyncadd.s32 @!p0 s1  }
0x45: {  	[bflag:$0x3] =	sbarrier.arrive $0xFFFF  }
0x46: {  	_ =	shalt  }

</sc_bundles>
